<compile_context>
chip_gen: v7x
topology: tpu7x:2x2x1
jax: 0.10.2.dev20260603
libtpu: 0.0.44.dev20260713+nightly
codegen_flags: <defaults>
</compile_context>

<pallas_src>
import functools

import jax
import jax.numpy as jnp
from jax import lax
from jax.experimental import pallas as pl
from jax.experimental.pallas import tpu as pltpu
from jax.experimental.pallas import tpu_sc as plsc

N = 50000
NP = 50176
E = 800000
F = 32
NC = 2
NS = 16
NW = NC * NS
EPW = 25088
EP = EPW * NW
CHUNK = 128
NCHUNK = EPW // CHUNK
IB = 28
STRIPE = NP // NS
ZROWS = 196


@functools.cache
def _get_mesh():
    return plsc.VectorSubcoreMesh(core_axis_name="c", subcore_axis_name="s",
                                  num_cores=NC, num_subcores=NS)



def _deg_body(dst_hbm, deg_out, idx_v, hist_v):
    cid = lax.axis_index("c")
    sid = lax.axis_index("s")
    wid = cid * NS + sid
    z16 = jnp.zeros((16,), jnp.float32)
    o16 = jnp.ones((16,), jnp.float32)

    def zloop(i, _):
        for m in range(8):
            hist_v[pl.ds(i * 128 + m * 16, 16)] = z16
        return 0
    lax.fori_loop(0, NP // 128, zloop, 0)

    pltpu.sync_copy(dst_hbm.at[pl.ds(wid * EPW, EPW)], idx_v)

    def hloop(i, _):
        for m in range(4):
            idx = idx_v[pl.ds(i * 64 + m * 16, 16)]
            plsc.addupdate_scatter(hist_v, [idx], o16)
        return 0
    lax.fori_loop(0, EPW // 64, hloop, 0)

    pltpu.sync_copy(hist_v, deg_out.at[wid])


@functools.partial(jax.jit)
def _deg_kernel(dst_flat):
    return pl.kernel(
        _deg_body,
        out_type=jax.ShapeDtypeStruct((NW, NP), jnp.float32),
        mesh=_get_mesh(),
        compiler_params=pltpu.CompilerParams(needs_layout_passes=False,
                                             use_tc_tiling_on_sc=False),
        scratch_types=[
            pltpu.VMEM((EPW,), jnp.int32),
            pltpu.VMEM((NP,), jnp.float32),
        ],
    )(dst_flat)


def _scatter_body(src2d, dst2d, y_hbm, s_out, s_sh, idx_s, idx_d, rows, zbuf,
                  gs0, gs1, gs2, gs3, ss0, ss1, ss2, ss3):
    gsem = (gs0, gs1, gs2, gs3)
    ssem = (ss0, ss1, ss2, ss3)
    cid = lax.axis_index("c")
    sid = lax.axis_index("s")
    wid = cid * NS + sid
    z16 = jnp.zeros((16,), jnp.float32)

    def zloop(i, _):
        zbuf[i, pl.ds(0, 16)] = z16
        zbuf[i, pl.ds(16, 16)] = z16
        return 0
    lax.fori_loop(0, ZROWS, zloop, 0)
    for k in range(STRIPE // ZROWS):
        pltpu.async_copy(zbuf, s_sh.at[pl.ds(sid * STRIPE + k * ZROWS, ZROWS)],
                         ssem[k % 4])
    for k in range(STRIPE // ZROWS):
        pltpu.make_async_copy(
            zbuf, s_sh.at[pl.ds(sid * STRIPE + k * ZROWS, ZROWS)],
            ssem[k % 4]).wait()
    plsc.subcore_barrier()

    def block(blk, _):
        pltpu.sync_copy(src2d.at[wid, pl.ds(blk * IB, IB)], idx_s)
        pltpu.sync_copy(dst2d.at[wid, pl.ds(blk * IB, IB)], idx_d)
        for b in range(3):
            pltpu.async_copy(y_hbm.at[idx_s.at[b]], rows.at[b], gsem[b])

        def grp(k, _):
            for bb in range(4):
                j = 4 * k + bb
                pltpu.make_async_copy(y_hbm.at[idx_s.at[j]], rows.at[bb],
                                      gsem[bb]).wait()
                pltpu.async_copy(rows.at[bb], s_sh.at[idx_d.at[j]], ssem[bb],
                                 add=True)
                bn = (bb + 3) % 4

                @pl.when(j + 3 < IB)
                def _():
                    @pl.when(j >= 1)
                    def _():
                        pltpu.make_async_copy(rows.at[bn],
                                              s_sh.at[idx_d.at[j - 1]],
                                              ssem[bn]).wait()
                    pltpu.async_copy(y_hbm.at[idx_s.at[j + 3]], rows.at[bn],
                                     gsem[bn])
            return 0
        lax.fori_loop(0, IB // 4, grp, 0)
        for b in range(4):
            pltpu.make_async_copy(rows.at[b], s_sh.at[idx_d.at[IB - 4 + b]],
                                  ssem[b]).wait()
        return 0
    lax.fori_loop(0, NCHUNK // IB, block, 0)

    plsc.subcore_barrier()
    pltpu.sync_copy(s_sh.at[pl.ds(sid * STRIPE, STRIPE)],
                    s_out.at[cid, pl.ds(sid * STRIPE, STRIPE)])


@functools.partial(jax.jit)
def _scatter_kernel(src2d, dst2d, y):
    return pl.kernel(
        _scatter_body,
        out_type=jax.ShapeDtypeStruct((NC, NP, F), jnp.float32),
        mesh=_get_mesh(),
        compiler_params=pltpu.CompilerParams(needs_layout_passes=False,
                                             use_tc_tiling_on_sc=False),
        scratch_types=[
            pltpu.VMEM_SHARED((NP, F), jnp.float32),
            pltpu.VMEM((IB, CHUNK), jnp.int32),
            pltpu.VMEM((IB, CHUNK), jnp.int32),
            pltpu.VMEM((4, CHUNK, F), jnp.float32),
            pltpu.VMEM((ZROWS, F), jnp.float32),
            pltpu.SemaphoreType.DMA,
            pltpu.SemaphoreType.DMA,
            pltpu.SemaphoreType.DMA,
            pltpu.SemaphoreType.DMA,
            pltpu.SemaphoreType.DMA,
            pltpu.SemaphoreType.DMA,
            pltpu.SemaphoreType.DMA,
            pltpu.SemaphoreType.DMA,
        ],
    )(src2d, dst2d, y)



BLK_P = 1024
NM = NP // 4
BLK_E = 1568
BLK_M = 2000


def _prep_body(x_ref, pe_ref, deg_ref, et_ref, tw_ref, tb_ref, w1_ref,
               y1_ref, dx_ref):
    xb = x_ref[...].astype(jnp.int32)
    rows = lax.broadcasted_iota(jnp.int32, (28, BLK_P), 0)
    oh = (rows == xb).astype(jnp.float32)
    h0 = jnp.dot(et_ref[...], oh, preferred_element_type=jnp.float32)
    h0 += jnp.dot(tw_ref[...], pe_ref[...], preferred_element_type=jnp.float32)
    h0 += tb_ref[...]
    tT = jnp.dot(w1_ref[...], h0, preferred_element_type=jnp.float32)
    deg = jnp.sum(deg_ref[...], axis=0, keepdims=True) + 1.0
    dinv = lax.rsqrt(deg)
    y1T = tT * dinv
    dxT = jnp.broadcast_to(dinv, (F, BLK_P))

    def merge(vT):
        v3 = jnp.transpose(vT).reshape(BLK_P // 4, 4, F)
        return jnp.concatenate([v3[:, m, :] for m in range(4)], axis=1)

    y1_ref[...] = merge(y1T)
    dx_ref[...] = merge(dxT)


@functools.partial(jax.jit)
def _prep_kernel(xf, peT, deg_parts, EtT, TwT, tb_col, W1T):
    grid = NP // BLK_P
    return pl.pallas_call(
        _prep_body,
        grid=(grid,),
        in_specs=[
            pl.BlockSpec((1, BLK_P), lambda i: (0, i)),
            pl.BlockSpec((5, BLK_P), lambda i: (0, i)),
            pl.BlockSpec((NW, BLK_P), lambda i: (0, i)),
            pl.BlockSpec((64, 28), lambda i: (0, 0)),
            pl.BlockSpec((64, 5), lambda i: (0, 0)),
            pl.BlockSpec((64, 1), lambda i: (0, 0)),
            pl.BlockSpec((F, 64), lambda i: (0, 0)),
        ],
        out_specs=[
            pl.BlockSpec((BLK_P // 4, 128), lambda i: (i, 0)),
            pl.BlockSpec((BLK_P // 4, 128), lambda i: (i, 0)),
        ],
        out_shape=[
            jax.ShapeDtypeStruct((NM, 128), jnp.float32),
            jax.ShapeDtypeStruct((NM, 128), jnp.float32),
        ],
    )(xf, peT, deg_parts, EtT, TwT, tb_col, W1T)


def _ef_body(sp_ref, y1_ref, dx_ref, b1_ref, y2_ref):
    s = sp_ref[0] + sp_ref[1]
    dx = dx_ref[...]
    h1 = jnp.maximum(dx * (s + y1_ref[...]) + b1_ref[...], 0.0)
    y2_ref[...] = dx * h1


@functools.partial(jax.jit)
def _ef_kernel(s1m, y1m, dxm, b1_4):
    grid = NM // BLK_E
    return pl.pallas_call(
        _ef_body,
        grid=(grid,),
        in_specs=[
            pl.BlockSpec((NC, BLK_E, 128), lambda i: (0, i, 0)),
            pl.BlockSpec((BLK_E, 128), lambda i: (i, 0)),
            pl.BlockSpec((BLK_E, 128), lambda i: (i, 0)),
            pl.BlockSpec((1, 128), lambda i: (0, 0)),
        ],
        out_specs=pl.BlockSpec((BLK_E, 128), lambda i: (i, 0)),
        out_shape=jax.ShapeDtypeStruct((NM, 128), jnp.float32),
    )(s1m, y1m, dxm, b1_4)


def _mu_ls_body(sp_ref, y2_ref, dx_ref, wmu_ref, bmu_ref, wls_ref, bls_ref,
                mu_ref, ls_ref):
    agg = dx_ref[...] * (sp_ref[0] + sp_ref[1] + y2_ref[...])
    mu_ref[...] = jnp.dot(agg, wmu_ref[...],
                          preferred_element_type=jnp.float32) + bmu_ref[...]
    ls_ref[...] = jnp.dot(agg, wls_ref[...],
                          preferred_element_type=jnp.float32) + bls_ref[...]


@functools.partial(jax.jit)
def _mu_ls_kernel(s2m, y2m, dxm, W4mu, b4mu, W4ls, b4ls):
    grid = NM // BLK_E
    return pl.pallas_call(
        _mu_ls_body,
        grid=(grid,),
        in_specs=[
            pl.BlockSpec((NC, BLK_E, 128), lambda i: (0, i, 0)),
            pl.BlockSpec((BLK_E, 128), lambda i: (i, 0)),
            pl.BlockSpec((BLK_E, 128), lambda i: (i, 0)),
            pl.BlockSpec((128, 128), lambda i: (0, 0)),
            pl.BlockSpec((1, 128), lambda i: (0, 0)),
            pl.BlockSpec((128, 128), lambda i: (0, 0)),
            pl.BlockSpec((1, 128), lambda i: (0, 0)),
        ],
        out_specs=[
            pl.BlockSpec((BLK_E, 128), lambda i: (i, 0)),
            pl.BlockSpec((BLK_E, 128), lambda i: (i, 0)),
        ],
        out_shape=[
            jax.ShapeDtypeStruct((NM, 128), jnp.float32),
            jax.ShapeDtypeStruct((NM, 128), jnp.float32),
        ],
    )(s2m, y2m, dxm, W4mu, b4mu, W4ls, b4ls)



def kernel(x, edge_index, laplacian_eigenvector_pe, embed_table, trans_W,
           trans_b, W1, b1, W_mu, b_mu, W_ls, b_ls):
    xf = jnp.pad(x.reshape(-1).astype(jnp.float32), (0, NP - N))
    xf = xf.reshape(1, NP)
    peT = jnp.pad(laplacian_eigenvector_pe.astype(jnp.float32),
                  ((0, NP - N), (0, 0))).T
    ei = edge_index.astype(jnp.int32)
    pad_row = N + jnp.arange(EP - E, dtype=jnp.int32) % (NP - N)
    pad_e = jnp.broadcast_to(pad_row, (2, EP - E))
    e2 = jnp.concatenate([ei, pad_e], axis=1)
    src2d = e2[0].reshape(NW, NCHUNK, CHUNK)
    dst2d = e2[1].reshape(NW, NCHUNK, CHUNK)
    dst_flat = e2[1]

    EtT = embed_table.astype(jnp.float32).T
    TwT = trans_W.astype(jnp.float32).T
    tb_col = trans_b.astype(jnp.float32).reshape(64, 1)
    W1T = W1.astype(jnp.float32).T
    b1_4 = jnp.tile(b1.astype(jnp.float32), 4).reshape(1, 128)
    eye4 = jnp.eye(4, dtype=jnp.float32)
    W4mu = jnp.kron(eye4, W_mu.astype(jnp.float32))
    W4ls = jnp.kron(eye4, W_ls.astype(jnp.float32))
    b4mu = jnp.tile(b_mu.astype(jnp.float32), 4).reshape(1, 128)
    b4ls = jnp.tile(b_ls.astype(jnp.float32), 4).reshape(1, 128)

    deg_parts = _deg_kernel(dst_flat)
    y1m, dxm = _prep_kernel(xf, peT, deg_parts, EtT, TwT, tb_col, W1T)
    s1p = _scatter_kernel(src2d, dst2d, y1m.reshape(NP, F))
    y2m = _ef_kernel(s1p.reshape(NC, NM, 128), y1m, dxm, b1_4)
    s2p = _scatter_kernel(src2d, dst2d, y2m.reshape(NP, F))
    mu4, ls4 = _mu_ls_kernel(s2p.reshape(NC, NM, 128), y2m, dxm,
                             W4mu, b4mu, W4ls, b4ls)
    return (mu4.reshape(NP, F)[:N], ls4.reshape(NP, F)[:N])

# --- scband reference (transcript-rebuilt; emitter-appended) ---
"""Pipeline reference for scband-variational-encoder-1331439862311 (READ-ONLY COPY).

The authoritative reference and input builder live on the scoring server;
editing this copy changes nothing except your own understanding.
"""

import jax, jax.numpy as jnp
import numpy as np

N_NODES = 50000


def gcn_conv(x, edge_index, W, b, num_nodes):
    # PyG GCNConv: add self loops, symmetric normalization, linear transform, scatter-add
    src = edge_index[0]
    dst = edge_index[1]
    loop = jnp.arange(num_nodes, dtype=edge_index.dtype)
    src = jnp.concatenate([src, loop])
    dst = jnp.concatenate([dst, loop])
    h = x @ W
    deg = jnp.zeros((num_nodes,), dtype=h.dtype).at[dst].add(1.0)
    dinv = jax.lax.rsqrt(deg)
    norm = dinv[src] * dinv[dst]
    msg = h[src] * norm[:, None]
    out = jnp.zeros_like(h).at[dst].add(msg)
    return out + b


def setup_inputs(seed: int = 0) -> dict:
    key = jax.random.key(seed)
    ks = jax.random.split(key, 12)
    out_channels = 32
    two_out = 2 * out_channels
    inp = {}
    inp["x"] = jax.random.randint(ks[0], (N_NODES, 1), 0, 28, dtype=jnp.int64)
    inp["edge_index"] = jax.random.randint(ks[1], (2, 800000), 0, N_NODES, dtype=jnp.int64)
    inp["laplacian_eigenvector_pe"] = jax.random.normal(ks[2], (N_NODES, 5), dtype=jnp.float32)
    # parameters
    inp["embed_table"] = jax.random.normal(ks[3], (28, two_out), dtype=jnp.float32) * 0.1
    inp["trans_W"] = jax.random.normal(ks[4], (5, two_out), dtype=jnp.float32) * 0.1
    inp["trans_b"] = jnp.zeros((two_out,), dtype=jnp.float32)
    inp["W1"] = jax.random.normal(ks[5], (two_out, out_channels), dtype=jnp.float32) * 0.1
    inp["b1"] = jnp.zeros((out_channels,), dtype=jnp.float32)
    inp["W_mu"] = jax.random.normal(ks[6], (out_channels, out_channels), dtype=jnp.float32) * 0.1
    inp["b_mu"] = jnp.zeros((out_channels,), dtype=jnp.float32)
    inp["W_ls"] = jax.random.normal(ks[7], (out_channels, out_channels), dtype=jnp.float32) * 0.1
    inp["b_ls"] = jnp.zeros((out_channels,), dtype=jnp.float32)
    return inp


def reference(x, edge_index, laplacian_eigenvector_pe, embed_table, trans_W, trans_b,
              W1, b1, W_mu, b_mu, W_ls, b_ls):
    # molecular=True: embedding lookup on atom-type indices, then squeeze(1)
    h = embed_table[x]            # [N, 1, 2*out]
    h = jnp.squeeze(h, axis=1)    # [N, 2*out]
    # transform=True: linear on laplacian positional encoding
    h = h + (laplacian_eigenvector_pe @ trans_W + trans_b)
    # layers=1: single GCNConv then relu
    h = jax.nn.relu(gcn_conv(h, edge_index, W1, b1, N_NODES))
    mu = gcn_conv(h, edge_index, W_mu, b_mu, N_NODES)
    logstd = gcn_conv(h, edge_index, W_ls, b_ls, N_NODES)
    return (mu, logstd)

if __name__ == "__main__":
    import jax
    _d = setup_inputs()
    print(jax.jit(kernel)(*tuple(_d.values())))

</pallas_src>

<mosaic_0001>
#map = affine_map<(d0, d1) -> (0)>
#map1 = affine_map<(d0, d1) -> (0, 0)>
module attributes {stable_mosaic.version = 14 : i64} {
  func.func @_deg_body(%arg0: i32, %arg1: i32, %arg2: memref<802816xi32, #tpu.memory_space<hbm>>, %arg3: memref<32x50176xf32, #tpu.memory_space<hbm>>, %arg4: memref<25088xi32, #tpu.memory_space<vmem>>, %arg5: memref<50176xf32, #tpu.memory_space<vmem>>) attributes {dimension_semantics = [#tpu.dimension_semantics<core_parallel>, #tpu.dimension_semantics<subcore_parallel>], iteration_bounds = array<i64: 2, 16>, scalar_prefetch = 0 : i64, scratch_operands = 2 : i64, tpu.core_type = #tpu.core_type<sc_vector_subcore>, window_params = [{transform_indices = #map}, {transform_indices = #map1}]} {
    %mul3A = arith.constant 16 : i32
    %mul3A_0 = arith.muli %arg0, %mul3A : i32
    %add3A = arith.addi %mul3A_0, %arg1 : i32
    %broadcast_in_dim3A = arith.constant 0.000000e+00 : f32
    %broadcast_in_dim3A_1 = vector.broadcast %broadcast_in_dim3A : f32 to vector<16xf32>
    %broadcast_in_dim3A_2 = arith.constant 1.000000e+00 : f32
    %broadcast_in_dim3A_3 = vector.broadcast %broadcast_in_dim3A_2 : f32 to vector<16xf32>
    %scan3A = arith.constant 0 : i32
    %scan3A_4 = arith.constant 0 : i32
    %scan3A_5 = arith.constant 392 : i32
    %scan3A_6 = arith.addi %scan3A_4, %scan3A_5 : i32
    %scan3A_7 = arith.constant 1 : i32
    %scan3A_8 = scf.for %scan3A_19 = %scan3A_4 to %scan3A_6 step %scan3A_7 iter_args(%scan3A_20 = %scan3A) -> (i32)  : i32 {
      %mul3A_21 = arith.constant 128 : i32
      %mul3A_22 = arith.muli %scan3A_19, %mul3A_21 : i32
      %add3A_23 = arith.constant 0 : i32
      %add3A_24 = arith.addi %mul3A_22, %add3A_23 : i32
      %swap3A = arith.index_cast %add3A_24 : i32 to index
      %swap3A_25 = tpu.vector_load %arg5[%swap3A] {strides = array<i32>} : memref<50176xf32, #tpu.memory_space<vmem>>, vector<16xf32>,
      tpu.vector_store %arg5[%swap3A], %broadcast_in_dim3A_1 {strides = array<i32>} : memref<50176xf32, #tpu.memory_space<vmem>>, vector<16xf32>,
      %mul3A_26 = arith.constant 128 : i32
      %mul3A_27 = arith.muli %scan3A_19, %mul3A_26 : i32
      %add3A_28 = arith.constant 16 : i32
      %add3A_29 = arith.addi %mul3A_27, %add3A_28 : i32
      %swap3A_30 = arith.index_cast %add3A_29 : i32 to index
      %swap3A_31 = tpu.vector_load %arg5[%swap3A_30] {strides = array<i32>} : memref<50176xf32, #tpu.memory_space<vmem>>, vector<16xf32>,
      tpu.vector_store %arg5[%swap3A_30], %broadcast_in_dim3A_1 {strides = array<i32>} : memref<50176xf32, #tpu.memory_space<vmem>>, vector<16xf32>,
      %mul3A_32 = arith.constant 128 : i32
      %mul3A_33 = arith.muli %scan3A_19, %mul3A_32 : i32
      %add3A_34 = arith.constant 32 : i32
      %add3A_35 = arith.addi %mul3A_33, %add3A_34 : i32
      %swap3A_36 = arith.index_cast %add3A_35 : i32 to index
      %swap3A_37 = tpu.vector_load %arg5[%swap3A_36] {strides = array<i32>} : memref<50176xf32, #tpu.memory_space<vmem>>, vector<16xf32>,
      tpu.vector_store %arg5[%swap3A_36], %broadcast_in_dim3A_1 {strides = array<i32>} : memref<50176xf32, #tpu.memory_space<vmem>>, vector<16xf32>,
      %mul3A_38 = arith.constant 128 : i32
      %mul3A_39 = arith.muli %scan3A_19, %mul3A_38 : i32
      %add3A_40 = arith.constant 48 : i32
      %add3A_41 = arith.addi %mul3A_39, %add3A_40 : i32
      %swap3A_42 = arith.index_cast %add3A_41 : i32 to index
      %swap3A_43 = tpu.vector_load %arg5[%swap3A_42] {strides = array<i32>} : memref<50176xf32, #tpu.memory_space<vmem>>, vector<16xf32>,
      tpu.vector_store %arg5[%swap3A_42], %broadcast_in_dim3A_1 {strides = array<i32>} : memref<50176xf32, #tpu.memory_space<vmem>>, vector<16xf32>,
      %mul3A_44 = arith.constant 128 : i32
      %mul3A_45 = arith.muli %scan3A_19, %mul3A_44 : i32
      %add3A_46 = arith.constant 64 : i32
      %add3A_47 = arith.addi %mul3A_45, %add3A_46 : i32
      %swap3A_48 = arith.index_cast %add3A_47 : i32 to index
      %swap3A_49 = tpu.vector_load %arg5[%swap3A_48] {strides = array<i32>} : memref<50176xf32, #tpu.memory_space<vmem>>, vector<16xf32>,
      tpu.vector_store %arg5[%swap3A_48], %broadcast_in_dim3A_1 {strides = array<i32>} : memref<50176xf32, #tpu.memory_space<vmem>>, vector<16xf32>,
      %mul3A_50 = arith.constant 128 : i32
      %mul3A_51 = arith.muli %scan3A_19, %mul3A_50 : i32
      %add3A_52 = arith.constant 80 : i32
      %add3A_53 = arith.addi %mul3A_51, %add3A_52 : i32
      %swap3A_54 = arith.index_cast %add3A_53 : i32 to index
      %swap3A_55 = tpu.vector_load %arg5[%swap3A_54] {strides = array<i32>} : memref<50176xf32, #tpu.memory_space<vmem>>, vector<16xf32>,
      tpu.vector_store %arg5[%swap3A_54], %broadcast_in_dim3A_1 {strides = array<i32>} : memref<50176xf32, #tpu.memory_space<vmem>>, vector<16xf32>,
      %mul3A_56 = arith.constant 128 : i32
      %mul3A_57 = arith.muli %scan3A_19, %mul3A_56 : i32
      %add3A_58 = arith.constant 96 : i32
      %add3A_59 = arith.addi %mul3A_57, %add3A_58 : i32
      %swap3A_60 = arith.index_cast %add3A_59 : i32 to index
      %swap3A_61 = tpu.vector_load %arg5[%swap3A_60] {strides = array<i32>} : memref<50176xf32, #tpu.memory_space<vmem>>, vector<16xf32>,
      tpu.vector_store %arg5[%swap3A_60], %broadcast_in_dim3A_1 {strides = array<i32>} : memref<50176xf32, #tpu.memory_space<vmem>>, vector<16xf32>,
      %mul3A_62 = arith.constant 128 : i32
      %mul3A_63 = arith.muli %scan3A_19, %mul3A_62 : i32
      %add3A_64 = arith.constant 112 : i32
      %add3A_65 = arith.addi %mul3A_63, %add3A_64 : i32
      %swap3A_66 = arith.index_cast %add3A_65 : i32 to index
      %swap3A_67 = tpu.vector_load %arg5[%swap3A_66] {strides = array<i32>} : memref<50176xf32, #tpu.memory_space<vmem>>, vector<16xf32>,
      tpu.vector_store %arg5[%swap3A_66], %broadcast_in_dim3A_1 {strides = array<i32>} : memref<50176xf32, #tpu.memory_space<vmem>>, vector<16xf32>,
      %scan3A_68 = arith.constant 0 : i32
      scf.yield %scan3A_68 : i32
    }
    %scan3A_9 = arith.constant 392 : i32
    %mul3A_10 = arith.constant 25088 : i32
    %mul3A_11 = arith.muli %add3A, %mul3A_10 : i32
    "tpu.region"() ({
      %run_scoped3A = tpu.sem_alloc : memref<!tpu.dma_semaphore, #tpu.memory_space<semaphore_mem>>
      %dma_start3A = tpu.memref_slice %arg2[%mul3A_11] : memref<802816xi32, #tpu.memory_space<hbm>> -> memref<25088xi32, #tpu.memory_space<hbm>>
      %dma_start3A_19 = tpu.memref_slice %arg2[%mul3A_11] : memref<802816xi32, #tpu.memory_space<hbm>> -> memref<25088xi32, #tpu.memory_space<hbm>>
      tpu.enqueue_dma source(%dma_start3A_19 : memref<25088xi32, #tpu.memory_space<hbm>>) target(%arg4 : memref<25088xi32, #tpu.memory_space<vmem>>) target_semaphore(%run_scoped3A : memref<!tpu.dma_semaphore, #tpu.memory_space<semaphore_mem>>)
      %dma_wait3A = tpu.memref_slice %arg2[%mul3A_11] : memref<802816xi32, #tpu.memory_space<hbm>> -> memref<25088xi32, #tpu.memory_space<hbm>>
      %dma_wait3A_20 = tpu.memref_slice %arg2[%mul3A_11] : memref<802816xi32, #tpu.memory_space<hbm>> -> memref<25088xi32, #tpu.memory_space<hbm>>
      tpu.wait_dma2 semaphore(%run_scoped3A : memref<!tpu.dma_semaphore, #tpu.memory_space<semaphore_mem>>) src(%dma_wait3A_20 : memref<25088xi32, #tpu.memory_space<hbm>>) dst(%arg4 : memref<25088xi32, #tpu.memory_space<vmem>>)
      tpu.yield
    }) : () -> ()
    %scan3A_12 = arith.constant 0 : i32
    %scan3A_13 = arith.constant 0 : i32
    %scan3A_14 = arith.constant 392 : i32
    %scan3A_15 = arith.addi %scan3A_13, %scan3A_14 : i32
    %scan3A_16 = arith.constant 1 : i32
    %scan3A_17 = scf.for %scan3A_19 = %scan3A_13 to %scan3A_15 step %scan3A_16 iter_args(%scan3A_20 = %scan3A_12) -> (i32)  : i32 {
      %mul3A_21 = arith.constant 64 : i32
      %mul3A_22 = arith.muli %scan3A_19, %mul3A_21 : i32
      %add3A_23 = arith.constant 0 : i32
      %add3A_24 = arith.addi %mul3A_22, %add3A_23 : i32
      %get3A = arith.index_cast %add3A_24 : i32 to index
      %get3A_25 = tpu.vector_load %arg4[%get3A] {strides = array<i32>} : memref<25088xi32, #tpu.memory_space<vmem>>, vector<16xi32>,
      tpu.vector_store_idx %arg5[%get3A_25], %broadcast_in_dim3A_3 {add = true} : memref<50176xf32, #tpu.memory_space<vmem>>[vector<16xi32>], vector<16xf32>,
      %mul3A_26 = arith.constant 64 : i32
      %mul3A_27 = arith.muli %scan3A_19, %mul3A_26 : i32
      %add3A_28 = arith.constant 16 : i32
      %add3A_29 = arith.addi %mul3A_27, %add3A_28 : i32
      %get3A_30 = arith.index_cast %add3A_29 : i32 to index
      %get3A_31 = tpu.vector_load %arg4[%get3A_30] {strides = array<i32>} : memref<25088xi32, #tpu.memory_space<vmem>>, vector<16xi32>,
      tpu.vector_store_idx %arg5[%get3A_31], %broadcast_in_dim3A_3 {add = true} : memref<50176xf32, #tpu.memory_space<vmem>>[vector<16xi32>], vector<16xf32>,
      %mul3A_32 = arith.constant 64 : i32
      %mul3A_33 = arith.muli %scan3A_19, %mul3A_32 : i32
      %add3A_34 = arith.constant 32 : i32
      %add3A_35 = arith.addi %mul3A_33, %add3A_34 : i32
      %get3A_36 = arith.index_cast %add3A_35 : i32 to index
      %get3A_37 = tpu.vector_load %arg4[%get3A_36] {strides = array<i32>} : memref<25088xi32, #tpu.memory_space<vmem>>, vector<16xi32>,
      tpu.vector_store_idx %arg5[%get3A_37], %broadcast_in_dim3A_3 {add = true} : memref<50176xf32, #tpu.memory_space<vmem>>[vector<16xi32>], vector<16xf32>,
      %mul3A_38 = arith.constant 64 : i32
      %mul3A_39 = arith.muli %scan3A_19, %mul3A_38 : i32
      %add3A_40 = arith.constant 48 : i32
      %add3A_41 = arith.addi %mul3A_39, %add3A_40 : i32
      %get3A_42 = arith.index_cast %add3A_41 : i32 to index
      %get3A_43 = tpu.vector_load %arg4[%get3A_42] {strides = array<i32>} : memref<25088xi32, #tpu.memory_space<vmem>>, vector<16xi32>,
      tpu.vector_store_idx %arg5[%get3A_43], %broadcast_in_dim3A_3 {add = true} : memref<50176xf32, #tpu.memory_space<vmem>>[vector<16xi32>], vector<16xf32>,
      %scan3A_44 = arith.constant 0 : i32
      scf.yield %scan3A_44 : i32
    }
    %scan3A_18 = arith.constant 392 : i32
    "tpu.region"() ({
      %run_scoped3A = tpu.sem_alloc : memref<!tpu.dma_semaphore, #tpu.memory_space<semaphore_mem>>
      %dma_start3A = arith.constant 0 : i32
      %dma_start3A_19 = tpu.memref_slice %arg3[%add3A, %dma_start3A] : memref<32x50176xf32, #tpu.memory_space<hbm>> -> memref<1x50176xf32, #tpu.memory_space<hbm>>
      %dma_start3A_20 = tpu.memref_squeeze %dma_start3A_19 : memref<1x50176xf32, #tpu.memory_space<hbm>> -> memref<50176xf32, #tpu.memory_space<hbm>>
      %dma_start3A_21 = arith.constant 0 : i32
      %dma_start3A_22 = tpu.memref_slice %arg3[%add3A, %dma_start3A_21] : memref<32x50176xf32, #tpu.memory_space<hbm>> -> memref<1x50176xf32, #tpu.memory_space<hbm>>
      %dma_start3A_23 = tpu.memref_squeeze %dma_start3A_22 : memref<1x50176xf32, #tpu.memory_space<hbm>> -> memref<50176xf32, #tpu.memory_space<hbm>>
      tpu.enqueue_dma source(%arg5 : memref<50176xf32, #tpu.memory_space<vmem>>) target(%dma_start3A_23 : memref<50176xf32, #tpu.memory_space<hbm>>) target_semaphore(%run_scoped3A : memref<!tpu.dma_semaphore, #tpu.memory_space<semaphore_mem>>)
      %dma_wait3A = arith.constant 0 : i32
      %dma_wait3A_24 = tpu.memref_slice %arg3[%add3A, %dma_wait3A] : memref<32x50176xf32, #tpu.memory_space<hbm>> -> memref<1x50176xf32, #tpu.memory_space<hbm>>
      %dma_wait3A_25 = tpu.memref_squeeze %dma_wait3A_24 : memref<1x50176xf32, #tpu.memory_space<hbm>> -> memref<50176xf32, #tpu.memory_space<hbm>>
      %dma_wait3A_26 = arith.constant 0 : i32
      %dma_wait3A_27 = tpu.memref_slice %arg3[%add3A, %dma_wait3A_26] : memref<32x50176xf32, #tpu.memory_space<hbm>> -> memref<1x50176xf32, #tpu.memory_space<hbm>>
      %dma_wait3A_28 = tpu.memref_squeeze %dma_wait3A_27 : memref<1x50176xf32, #tpu.memory_space<hbm>> -> memref<50176xf32, #tpu.memory_space<hbm>>
      tpu.wait_dma2 semaphore(%run_scoped3A : memref<!tpu.dma_semaphore, #tpu.memory_space<semaphore_mem>>) src(%arg5 : memref<50176xf32, #tpu.memory_space<vmem>>) dst(%dma_wait3A_28 : memref<50176xf32, #tpu.memory_space<hbm>>)
      tpu.yield
    }) : () -> ()
    return
  }
}

</mosaic_0001>

<sc_bundles>
// kernel: _deg_kernel.3.cloned.1.call-start
scs
__scs_entry_jumppad:
0x0: {  	(pc) =	sbr.rel $0x88, $3  }
0x1: {  	(tag) =	ssettag $0x0;
	lr =	simm.s32 $0x1  }
0x2: {  	[smem:$0x3FA0] =	sst lr;
	_ =	strace $0xD0000000  }
0x3: {  	_ = 	snop  }
0x4: {  	_ = 	snop  }
0x5: {  	_ = 	snop  }
0x6: {  	_ = 	snop  }
0x7: {  	_ = 	snop  }
__scs_overlays_trampoline_lowered:
0x8: {  	[smem:$0x3FAF] =	sst s0  }
0x9: {  	[smem:$0x3FB0] =	sst s1  }
0xa: {  	[smem:$0x3FB1] =	sst s2  }
0xb: {  	[smem:$0x3FB2] =	sst s3  }
0xc: {  	[smem:$0x3FB3] =	sst s4  }
0xd: {  	[smem:$0x3FB4] =	sst s5  }
0xe: {  	[smem:$0x3FB5] =	sst s6  }
0xf: {  	[smem:$0x3FB6] =	sst s7  }
0x10: {  	[smem:$0x3FB7] =	sst s8  }
0x11: {  	[smem:$0x3FB8] =	sst s9;
	s0 =	simm.s32 @!p0 $0x0  }
0x12: {  	s1 =	sld [smem:$0x3F9E];
	s0 =	simm.s32 @p0 $0x1  }
0x13: {  	[smem:$0x3FB9] =	sst s0;
	s0 =	simm.s32 @!p1 $0x0  }
0x14: {  	s2 =	sld [smem:$0x3F9D];
	s0 =	simm.s32 @p1 $0x1  }
0x15: {  	[smem:$0x3FBA] =	sst s0;
	s0 =	simm.s32 @!p2 $0x0  }
0x16: {  	s3 =	sld [smem:$0x3FDB];
	s0 =	simm.s32 @p2 $0x1  }
0x17: {  	s4 =	simm.s32 $0x1BF5;
	[smem:$0x3FBC] =	sst s0  }
0x18: {  	s0 =	sld [smem:$0x3F9F];
	_ =	swait.ge [sflag:s4], $0x0  }
0x19: {  	s7 =	sld [smem:$0x3FA0]  }
0x1a: {  	s8 =	sadd.s32 $0xFFFFE003, lr  }
0x1b: {  	s9 =	sadd.s32 $0xFFFFFEF7, lr;
	s5 =	simm.s32 $0xFFFFFFFF;
	p2 =	slt.u32 s8, $0xFFFFF086  }
0x1c: {  	p1 =	slt.u32 s9, $0xF7A;
	s5 =	simm.s32 @!p2 $0x0  }
0x1d: {  	s5 =	simm.s32 @p1 $0x1;
	p0 =	seq.s32 s7, s2  }
0x1e: {  	s7 =	smul.u32 @!p0 $0xF7A, s2;
	p2 =	seq.s32 @!p0 s5, $0x0  }
0x1f: {  	s9 =	smul.u32 $0xF7A, s1;
	s8 =	simm.s32 @!p0 $0x1BF5;
	p2 =	por !p2, p0  }
0x20: {  	[sflag:s8] =	ssyncset.s32 @!p0 $0xFFFFF086;
	s6 =	sadd.s32 @!p0 s3, s7;
	s7 =	simm.s32 @!p0 $0x108  }
0x21: {  	s3 =	sadd.s32 s3, s9;
	s6 =	sadd.s32 @!p0 $0x88, s6;
	s7 =	simm.s32 @p2 $0x1082  }
0x22: {  	[simem:s7], [sflag:s8] =	dma.local @!p0 [hbm:s6], $0xF7A  }
0x23: {  	s9 =	sor.u32 $0xD0000000, s2;
	s6 =	simm.s32 $0x108;
	_ =	swait.ge @!p0 [sflag:s8], $0x0  }
0x24: {  	s3 =	sadd.s32 $0x88, s3;
	s6 =	simm.s32 @!p1 $0x1082;
	[sflag:s4] =	ssyncset.s32 $0xFFFFF086  }
0x25: {  	[simem:s6], [sflag:s4] =	dma.local [hbm:s3], $0xF7A  }
0x26: {  	[smem:$0x3FA0] =	sst s1;
	(tag) =	ssettag s2;
	_ =	strace s9  }
0x27: {  	s1 =	sld [smem:$0x3FB0]  }
0x28: {  	s2 =	sld [smem:$0x3FB1]  }
0x29: {  	s4 =	sld [smem:$0x3FB3]  }
0x2a: {  	p0 =	seq.s32 s5, $0x0;
	s5 =	sld [smem:$0x3FB4]  }
0x2b: {  	s6 =	sld [smem:$0x3FB5]  }
0x2c: {  	s7 =	sld [smem:$0x3FB6]  }
0x2d: {  	s3 =	simm.s32 $0x108;
	s8 =	sld [smem:$0x3FB7]  }
0x2e: {  	s3 =	simm.s32 @!p0 $0x1082;
	s9 =	sld [smem:$0x3FB8]  }
0x2f: {  	lr =	sadd.s32 s0, s3;
	s0 =	sld [smem:$0x3FAF]  }
0x30: {  	s3 =	sld [smem:$0x3FB2]  }
0x31: {  	[smem:$0x3FBB] =	sst s10  }
0x32: {  	s10 =	sld [smem:$0x3FB9];
	_ =	sdelay $0x3  }
0x33: {  	p0 =	seq.s32 s10, $0x1;
	s10 =	sld [smem:$0x3FBB];
	_ =	sdelay $0x3  }
0x34: {  	[smem:$0x3FBB] =	sst s10  }
0x35: {  	s10 =	sld [smem:$0x3FBA];
	_ =	sdelay $0x3  }
0x36: {  	p1 =	seq.s32 s10, $0x1;
	s10 =	sld [smem:$0x3FBB];
	_ =	sdelay $0x3  }
0x37: {  	[smem:$0x3FBB] =	sst s10  }
0x38: {  	s10 =	sld [smem:$0x3FBC]  }
0x39: {  	_ = 	snop;
	(pc) =	sbr.ind lr, $3  }
0x3a: {  	_ = 	snop  }
0x3b: {  	_ = 	snop  }
0x3c: {  	p2 =	seq.s32 s10, $0x1;
	s10 =	sld [smem:$0x3FBB]  }
0x3d: {  	_ =	shalt  }
0x3e: {  	_ =	shalt  }
0x3f: {  	_ =	shalt  }
0x40: {  	_ =	shalt  }
0x41: {  	_ =	shalt  }
0x42: {  	_ =	shalt  }
0x43: {  	_ =	shalt  }
0x44: {  	_ =	shalt  }
0x45: {  	_ =	shalt  }
0x46: {  	_ =	shalt  }
0x47: {  	_ =	shalt  }
0x48: {  	_ =	shalt  }
0x49: {  	_ =	shalt  }
0x4a: {  	_ =	shalt  }
0x4b: {  	_ =	shalt  }
0x4c: {  	_ =	shalt  }
0x4d: {  	_ =	shalt  }
0x4e: {  	_ =	shalt  }
0x4f: {  	_ =	shalt  }
0x50: {  	_ =	shalt  }
0x51: {  	_ =	shalt  }
0x52: {  	_ =	shalt  }
0x53: {  	_ =	shalt  }
0x54: {  	_ =	shalt  }
0x55: {  	_ =	shalt  }
0x56: {  	_ =	shalt  }
0x57: {  	_ =	shalt  }
0x58: {  	_ =	shalt  }
0x59: {  	_ =	shalt  }
0x5a: {  	_ =	shalt  }
0x5b: {  	_ =	shalt  }
0x5c: {  	_ =	shalt  }
0x5d: {  	_ =	shalt  }
0x5e: {  	_ =	shalt  }
0x5f: {  	_ =	shalt  }
0x60: {  	_ =	shalt  }
0x61: {  	_ =	shalt  }
0x62: {  	_ =	shalt  }
0x63: {  	_ =	shalt  }
0x64: {  	_ =	shalt  }
0x65: {  	_ =	shalt  }
0x66: {  	_ =	shalt  }
0x67: {  	_ =	shalt  }
0x68: {  	_ =	shalt  }
0x69: {  	_ =	shalt  }
0x6a: {  	_ =	shalt  }
0x6b: {  	_ =	shalt  }
0x6c: {  	_ =	shalt  }
0x6d: {  	_ =	shalt  }
0x6e: {  	_ =	shalt  }
0x6f: {  	_ =	shalt  }
0x70: {  	_ =	shalt  }
0x71: {  	_ =	shalt  }
0x72: {  	_ =	shalt  }
0x73: {  	_ =	shalt  }
0x74: {  	_ =	shalt  }
0x75: {  	_ =	shalt  }
0x76: {  	_ =	shalt  }
0x77: {  	_ =	shalt  }
0x78: {  	_ =	shalt  }
0x79: {  	_ =	shalt  }
0x7a: {  	_ =	shalt  }
0x7b: {  	_ =	shalt  }
0x7c: {  	_ =	shalt  }
0x7d: {  	_ =	shalt  }
0x7e: {  	_ =	shalt  }
0x7f: {  	_ =	shalt  }
0x80: {  	_ =	shalt  }
0x81: {  	_ =	shalt  }
0x82: {  	_ =	shalt  }
0x83: {  	_ =	shalt  }
0x84: {  	_ =	shalt  }
0x85: {  	_ =	shalt  }
0x86: {  	_ =	shalt  }
0x87: {  	_ =	shalt  }
.Lfunc_end0:
.L_simem_size_0:
called_computation_lowered:
.L_overlay_start_0:
0x88: {  	s2 =	sld [smem:$0x3FD9]  }
0x89: {  	s3 =	sld [smem:$0x3FFE];
	_ =	sdelay $0x1  }
0x8a: {  	s1 =	srdreg.scid  }
0x8b: {  	s0 =	sand.u32 $0x1, s1  }
0x8c: {  	s17 =	sshll.u32 s0, $0xA;
	s2 =	sadd.s32 s3, s2  }
0x8d: {  	s2 =	sadd.s32 s2, s17  }
0x8e: {  	[smem:$0x3FC7] =	sst s2  }
0x8f: {  	_ = 	snop  }
0x90: {  	s2 =	sld [smem:$0x3FC9];
	(tm) =	ssettm $0x1  }
0x91: {  	s18 =	sld [smem:$0x3FFB];
	_ =	sdelay $0x3  }
0x92: {  	_ =	strace s18  }
0x93: {  	s3 =	sld [smem:$0x3FFC];
	_ =	sdelay $0x3  }
0x94: {  	_ =	strace s3  }
0x95: {  	s3 =	sld [smem:$0x3FFD];
	_ =	sdelay $0x3  }
0x96: {  	_ =	strace s3  }
0x97: {  	_ =	strace $0x8FFFFFFF  }
0x98: {  	s19 =	sld [smem:$0x3FDB];
	_ =	sdelay $0x1  }
0x99: {  	s4 =	simm.s32 $_scs_section_size  }
0x9a: {  	s5 =	simm.s32 $_size__tile_overlayer_lowered;
	s6 =	simm.s32 $_tile_overlayer_lowered  }
0x9b: {  	s22 =	simm.s32 $0x1BFF;
	s21 =	sshll.u32 s6, $0x1;
	s3 =	sadd.s32 s4, s19  }
0x9c: {  	s7 =	simm.s32 $0x0;
	s20 =	sshll.u32 s5, $0x1;
	s5 =	sadd.s32 s21, s3  }
0x9d: {  	[timem:s7], [sflag:s22] =	dma.local [hbm:s5], s20  }
0x9e: {  	_ =	swait.ge [sflag:s22], s20  }
0x9f: {  	s4 =	ssub.s32 $0x0, s20;
	[sflag:s22] =	ssyncset.done $0x0  }
0xa0: {  	[sflag:s22] =	ssyncadd.s32 s4;
	_ =	sdelay $0x1  }
0xa1: {  	s23 =	simm.s32 $0x1B8B  }
0xa2: {  	_ =	swait.ge [sflag:s23], $0x1  }
0xa3: {  	[sflag:s23] =	ssyncset.done $0x0  }
0xa4: {  	s25 =	simm.s32 $0x1B8E;
	s24 =	sld [smem:$0x3FFE];
	[sflag:s23] =	ssyncadd.s32 $0xFFFFFFFF  }
0xa5: {  	s26 =	simm.s32 $execute0_lowered;
	[smem:$0x3FD2] =	sst s25  }
0xa6: {  	s5 =	sshll.u32 s26, $0x1;
	_ =	strace $0x80000046;
	[dreg:$0x1] =	wrdreg $0xFFFFFFFF  }
0xa7: {  	s28 =	simm.s32 $_size_execute0_lowered;
	s3 =	sadd.s32 s3, s5;
	[dreg:$0x0] =	wrdreg $0x0  }
0xa8: {  	s5 =	sshll.u32 s28, $0x1;
	[dreg:$0x2] =	wrdreg s3  }
0xa9: {  	[dreg:$0x3] =	wrdreg s5  }
0xaa: {  	[dreg:$0x4] =	wrdreg $0xC0  }
0xab: {  	_ =	task [dreg:s7], $0x5FFFF  }
0xac: {  	[dreg:$0x1] =	wrdreg $0xFFFFFFFF  }
0xad: {  	[dreg:$0x0] =	wrdreg $0x60  }
0xae: {  	[dreg:$0x2] =	wrdreg s2  }
0xaf: {  	[dreg:$0x3] =	wrdreg s24  }
0xb0: {  	[dreg:$0x4] =	wrdreg $0x9  }
0xb1: {  	_ =	task.clear_ibuf [dreg:s7], $0x5FFFF;
	_ =	strace $0x90000046  }
0xb2: {  	s29 =	simm.s32 $0x9;
	_ =	strace $0x80000048  }
0xb3: {  	_ =	swait.ge [sflag:s29], $0x1  }
0xb4: {  	[sflag:s29] =	ssyncadd.s32 $0xFFFFFFFF  }
0xb5: {  	_ =	strace $0x90000048  }
0xb6: {  	_ =	sfence  }
0xb7: {  	s30 =	sld [smem:$0x0];
	_ =	sdelay $0x2  }
0xb8: {  	s31 =	sshll.u32 s1, $0xD;
	s1 =	sshrl.u32 s1, $0x2  }
0xb9: {  	s3 =	sand.u32 $0x4000, s31;
	s1 =	sadd.s32 s1, s30  }
0xba: {  	s0 =	sor.u32 s3, s0;
	s1 =	sshll.u32 s1, $0x11  }
0xbb: {  	s0 =	sor.u32 s1, s0  }
0xbc: {  	s0 =	sadd.s32 $0x8F2B, s0  }
0xbd: {  	[sflag:s0] =	ssyncadd.remote.s32 $0x1  }
0xbe: {  	_ =	sfence.sel $0xFFFF  }
0xbf: {  	[dreg:$0x0] =	wrdreg $0xFFFFFFFF;
	(pc) =	sbr.abs _section_cstart, $3  }
0xc0: {  	[dreg:$0x1] =	wrdreg $0xFFFFFFFF  }
0xc1: {  	_ =	task.clear_ibuf [dreg:s7], $0x2FFFF;
	_ =	strace $0x9FFFFFFF  }
0xc2: {  	(tm) =	ssettm $0x7FFFFFFF  }
0xc3: {  	_ =	shalt  }
tec
execute0_lowered:
.L_overlay_start_1:
0x0: {  	(tag) =	ssettag $0x1  }
0x1: {  	s0 =	srdreg.scid  }
0x2: {  	s3 =	rddreg [dreg:$0x0];
	s4 =	sand.u32 $0x1, s0  }
0x3: {  	s5 =	rddreg [dreg:$0x1];
	s1 =	stileid.u32;
	s2 =	sshll.u32 s4, $0x4  }
0x4: {  	s0 =	rddreg [dreg:$0x2];
	s6 =	sor.u32 s1, s2  }
0x5: {  	s4 =	ssub.s32 $0x2, s4;
	s2 =	simm.s32 $0x0;
	s7 =	smul.u32 $0x1880, s6  }
0x6: {  	s8 =	sshrl.u32 s4, $0x1;
	[smem:$0x7FF] =	sst s2;
	s6 =	smul.u32 $0xC40, s6  }
0x7: {  	s31 =	ssub.s32 s4, s8;
	s8 =	simm.s32 $0x0;
	_ =	strace $0x80000047  }
0x8: {  	s5 =	sadd.s32 s7, s5;
	s3 =	sadd.s32 s3, s6;
	s6 =	simm.s32 $0x1  }
0x9: {  	v0 =	vimm.f32 $0.0e+00;
	v1 =	vimm.f32 $1.000000000e+00;
	s7 =	simm.s32 $0x6200;
	s4 =	sadd.s32 $0x400, s5;
	s5 =	smax.u32 s31, $0x1  }
.LBB2_1:
0xa: {  	s9 =	simm.s32 $0x0;
	s10 =	simm.s32 $0x200  }
.LBB2_2:
0xb: {  	p0 =	sne.s32 s10, $0x30E00;
	[tilespmem:s9+$0x6270] =	vst v0  }
0xc: {  	[tilespmem:s9+$0x6200] =	vst v0  }
0xd: {  	[tilespmem:s9+$0x6210] =	vst v0  }
.Ltmp0:
0xe: {  	[tilespmem:s9+$0x6220] =	vst v0;
	(pc) =	sbr.rel @p0 .LBB2_2-.Ltmp0, $4  }
0xf: {  	[tilespmem:s9+$0x6230] =	vst v0  }
0x10: {  	[tilespmem:s9+$0x6240] =	vst v0  }
0x11: {  	[tilespmem:s9+$0x6250] =	vst v0  }
0x12: {  	[tilespmem:s9+$0x6260] =	vst v0;
	s9 =	sshra.s32 s10, $0x2;
	s10 =	sadd.s32 $0x200, s10  }
0x13: {  	[tilespmem:s9+$0x6270] =	vst v0  }
0x14: {  	[tilespmem:s9+$0x6200] =	vst v0  }
0x15: {  	[tilespmem:s9+$0x6210] =	vst v0  }
0x16: {  	[tilespmem:s9+$0x6220] =	vst v0  }
0x17: {  	[tilespmem:s9+$0x6230] =	vst v0  }
0x18: {  	[tilespmem:s9+$0x6240] =	vst v0  }
0x19: {  	[tilespmem:s9+$0x6250] =	vst v0  }
0x1a: {  	[tilespmem:s9+$0x6260] =	vst v0;
	s9 =	simm.s32 $0x0  }
0x1b: {  	[tilespmem:s9], [sflag:$0x1] =	stream.linear.gather [hbm4b:s3+s9], $0x6200, $0x38;
	[tilespmem:$0x12600] =	vst v63  }
0x1c: {  	_ =	swait.ge [sflag:s6], $0x6200  }
0x1d: {  	[sflag:s6] =	ssyncset.done $0x0  }
0x1e: {  	[sflag:s6] =	ssyncadd.s32 $0xFFFF9E00  }
.LBB2_4:
0x1f: {  	s10 =	sshra.s32 s9, $0x2  }
0x20: {  	v2 =	vld [tilespmem:s10+$0x0];
	_ =	sdelay $0x7  }
0x21: {  	[tilespmem:v2+s7+$0x0] =	vst.idx.add.f32.msk $0xffff, v1  }
0x22: {  	v2 =	vld [tilespmem:s10+$0x10];
	_ =	sdelay $0x7  }
0x23: {  	[tilespmem:v2+s7+$0x0] =	vst.idx.add.f32.msk $0xffff, v1  }
0x24: {  	v2 =	vld [tilespmem:s10+$0x20];
	_ =	sdelay $0x7  }
0x25: {  	[tilespmem:v2+s7+$0x0] =	vst.idx.add.f32.msk $0xffff, v1  }
0x26: {  	v2 =	vld [tilespmem:s10+$0x30];
	_ =	sdelay $0x2  }
0x27: {  	p0 =	sne.s32 s9, $0x18700  }
.Ltmp1:
0x28: {  	_ = 	snop;
	(pc) =	sbr.rel @p0 .LBB2_4-.Ltmp1, $2  }
0x29: {  	_ =	sdelay $0x2  }
0x2a: {  	s9 =	sadd.s32 $0x100, s9;
	[tilespmem:v2+s7+$0x0] =	vst.idx.add.f32.msk $0xffff, v1  }
0x2b: {  	s8 =	sadd.s32 $0x1, s8  }
0x2c: {  	p0 =	sne.s32 s8, s5  }
.Ltmp2:
0x2d: {  	_ = 	snop;
	(pc) =	sbr.rel @p0 .LBB2_1-.Ltmp2, $4  }
0x2e: {  	[hbm4b:s4+s2] =	stream.linear.scatter [tilespmem:s7], [sflag:$0x1], $0xC400, $0x38;
	[tilespmem:$0x12600] =	vst v63  }
0x2f: {  	_ =	swait.ge [sflag:s6], $0xC400  }
0x30: {  	[sflag:s6] =	ssyncset.done $0x0  }
0x31: {  	[sflag:s6] =	ssyncadd.s32 $0xFFFF3C00  }
0x32: {  	_ =	sfence.sel $0x180000  }
0x33: {  	[bflag:$0x0] =	sbarrier.arrive $0xFFFF  }
0x34: {  	p0 =	sne.s32 s1, $0x0;
	_ =	strace $0x90000047  }
0x35: {  	s0 =	sadd.s32 @!p0 $0x100000, s0;
	[bflag:$0x2] =	sbarrier.arrive $0xFFFF  }
0x36: {  	[sflag:s0] =	ssyncadd.tile.s32 @!p0 $0x1;
	_ =	shalt  }
.Lfunc_end2:
_tile_overlayer_lowered:
.L_overlay_start_2:
0x37: {  	(tag) =	ssettag $0x2  }
0x38: {  	s0 =	rddreg [dreg:$0x0];
	s2 =	stileid.u32  }
0x39: {  	s1 =	rddreg [dreg:$0x1];
	p0 =	sne.s32 s2, $0x0  }
0x3a: {  	s3 =	rddreg [dreg:$0x2];
	[bflag:$0x3] =	sbarrier.arrive $0xFFFF;
	s2 =	simm.s32 @!p0 $0x1C01  }
0x3b: {  	[timem:s3], [sflag:s2] =	dma.local @!p0 [hbm:s0], s1  }
0x3c: {  	s0 =	simm.s32 @!p0 $0x1  }
0x3d: {  	_ =	swait.ge @!p0 [sflag:s0], s1  }
0x3e: {  	s1 =	ssub.s32 @!p0 $0x0, s1;
	[sflag:s0] =	ssyncset.done @!p0 $0x0  }
0x3f: {  	[sflag:s0] =	ssyncadd.s32 @!p0 s1  }
0x40: {  	[bflag:$0x3] =	sbarrier.arrive $0xFFFF  }
0x41: {  	_ =	shalt  }

</sc_bundles>
